<compile_context>
chip_gen: v7x
topology: tpu7x:2x2x1
jax: 0.10.2.dev20260603
libtpu: 0.0.44.dev20260713+nightly
codegen_flags: <defaults>
</compile_context>

<pallas_src>
import functools

import jax
import jax.numpy as jnp
from jax import lax
from jax.experimental import pallas as pl
from jax.experimental.pallas import tpu as pltpu
from jax.experimental.pallas import tpu_sc as plsc

N = 1024
D = 64
E = 200000

_NW = 32
_CHUNK = 6272


def _tc_body(zt_ref, ei_hbm, w0_ref, b0_ref, w1_ref, b1_ref, bias_ref, s_ref,
             idx_ref, src_v, dst_v, ei_sem):
    src_cp = pltpu.make_async_copy(ei_hbm.at[0], src_v, ei_sem.at[0])
    dst_cp = pltpu.make_async_copy(ei_hbm.at[1], dst_v, ei_sem.at[1])
    src_cp.start()
    dst_cp.start()
    zt = zt_ref[...]
    zbar = jnp.mean(zt, axis=1, keepdims=True).T
    c0 = jax.nn.relu(
        jnp.dot(zbar, w0_ref[...], preferred_element_type=jnp.float32)
        + b0_ref[...])
    c1 = (jnp.dot(zbar + c0, w1_ref[...], preferred_element_type=jnp.float32)
          + b1_ref[...])
    ht = zt + (c0 + c1).T
    for k in range(8):
        hk = ht[:, 128 * k:128 * (k + 1)]
        gk = lax.dot_general(ht, hk, (((0,), (0,)), ((), ())),
                             preferred_element_type=jnp.float32)
        s_ref[1024 * k:1024 * (k + 1), :] = jax.nn.sigmoid(gk + bias_ref[0, 0])
    src_cp.wait()
    dst_cp.wait()
    i = src_v[...]
    j = dst_v[...]
    idx_ref[...] = ((j >> 7) << 17) + (i << 7) + (j & 127)


def _sc_gather(s_hbm, idx_hbm, out_hbm, idx_v, val_v, s_sh, sem, sem2):
    nc = 2
    sid = lax.axis_index("s")
    wid = sid * nc + lax.axis_index("c")
    base = jnp.minimum(wid * _CHUNK, E - _CHUNK)
    slab = N * N // 16
    stage = pltpu.make_async_copy(s_hbm.at[pl.ds(sid * slab, slab)],
                                  s_sh.at[pl.ds(sid * slab, slab)], sem2)
    stage.start()
    pltpu.sync_copy(idx_hbm.at[pl.ds(base, _CHUNK)], idx_v)
    stage.wait()
    plsc.subcore_barrier()
    half = _CHUNK // 2
    g0 = pltpu.async_copy(s_sh.at[idx_v.at[pl.ds(0, half)]],
                          val_v.at[pl.ds(0, half)], sem)
    g1 = pltpu.async_copy(s_sh.at[idx_v.at[pl.ds(half, half)]],
                          val_v.at[pl.ds(half, half)], sem)
    g0.wait()
    pltpu.sync_copy(val_v.at[pl.ds(0, half)], out_hbm.at[pl.ds(base, half)])
    g1.wait()
    pltpu.sync_copy(val_v.at[pl.ds(half, half)],
                    out_hbm.at[pl.ds(base + half, half)])


def kernel(z, edge_index, W0, b0, W1, b1, bias):
    s, idx = pl.pallas_call(
        _tc_body,
        out_shape=[
            jax.ShapeDtypeStruct((8 * N, 128), jnp.float32),
            jax.ShapeDtypeStruct((E,), jnp.int32),
        ],
        in_specs=[
            pl.BlockSpec(memory_space=pltpu.MemorySpace.VMEM),
            pl.BlockSpec(memory_space=pl.ANY),
            pl.BlockSpec(memory_space=pltpu.MemorySpace.VMEM),
            pl.BlockSpec(memory_space=pltpu.MemorySpace.VMEM),
            pl.BlockSpec(memory_space=pltpu.MemorySpace.VMEM),
            pl.BlockSpec(memory_space=pltpu.MemorySpace.VMEM),
            pl.BlockSpec(memory_space=pltpu.MemorySpace.VMEM),
        ],
        scratch_shapes=[
            pltpu.VMEM((E,), jnp.int32),
            pltpu.VMEM((E,), jnp.int32),
            pltpu.SemaphoreType.DMA((2,)),
        ],
    )(z.T, edge_index, W0, b0.reshape(1, D), W1, b1.reshape(1, D),
      bias.reshape(1, 1))
    s = s.reshape(N * N)

    mesh = plsc.VectorSubcoreMesh(core_axis_name="c", subcore_axis_name="s")
    gather = functools.partial(
        pl.kernel,
        mesh=mesh,
        out_type=jax.ShapeDtypeStruct((E,), jnp.float32),
        scratch_types=[
            pltpu.VMEM((_CHUNK,), jnp.int32),
            pltpu.VMEM((_CHUNK,), jnp.float32),
            pltpu.VMEM_SHARED((N * N,), jnp.float32),
            pltpu.SemaphoreType.DMA,
            pltpu.SemaphoreType.DMA,
        ],
    )(_sc_gather)

    return gather(s, idx)

# --- scband reference (transcript-rebuilt; emitter-appended) ---
"""Pipeline reference for scband-gcndecoder-54400055771607 (READ-ONLY COPY).

The authoritative reference and input builder live on the scoring server;
editing this copy changes nothing except your own understanding.
"""

import jax, jax.numpy as jnp
import numpy as np

N = 1024
D = 64
E = 200000

def _fc_edges(n):
    rows, cols = np.meshgrid(np.arange(n, dtype=np.int32), np.arange(n, dtype=np.int32), indexing='ij')
    mask = rows != cols
    return jnp.asarray(np.stack([rows[mask], cols[mask]], axis=0))

def _gcn_conv(x, ei, W, b):
    # Faithful PyG GCNConv: add self-loops, symmetric normalization D^-1/2 (A+I) D^-1/2 X W + b
    n = x.shape[0]
    loop = jnp.arange(n, dtype=ei.dtype)
    src = jnp.concatenate([ei[0], loop])
    dst = jnp.concatenate([ei[1], loop])
    xw = x @ W
    deg = jnp.zeros((n,), x.dtype).at[dst].add(1.0)
    dinv = jnp.where(deg > 0, deg ** -0.5, 0.0)
    norm = dinv[src] * dinv[dst]
    out = jnp.zeros_like(xw).at[dst].add(xw[src] * norm[:, None])
    return out + b

def setup_inputs(seed: int = 0):
    key = jax.random.key(seed)
    k1, k2, k3, k4 = jax.random.split(key, 4)
    z = jax.random.normal(k1, (N, D), dtype=jnp.float32)
    edge_index = jax.random.randint(k2, (2, E), 0, N, dtype=jnp.int32)
    W0 = jax.random.normal(k3, (D, D), dtype=jnp.float32) * (1.0 / np.sqrt(D))
    b0 = jnp.zeros((D,), dtype=jnp.float32)
    W1 = jax.random.normal(k4, (D, D), dtype=jnp.float32) * (1.0 / np.sqrt(D))
    b1 = jnp.zeros((D,), dtype=jnp.float32)
    bias = jnp.zeros((1,), dtype=jnp.float32)
    return {"z": z, "edge_index": edge_index, "W0": W0, "b0": b0, "W1": W1, "b1": b1, "bias": bias}

def reference(z, edge_index, W0, b0, W1, b1, bias):
    ei_full = _fc_edges(z.shape[0])
    params = [(W0, b0), (W1, b1)]
    h = z
    for i, (W, b) in enumerate(params):
        h_new = _gcn_conv(h, ei_full, W, b)
        if i < len(params) - 1:
            h_new = jax.nn.relu(h_new)
        h = h_new + h
    logits = jnp.sum(h[edge_index[0]] * h[edge_index[1]], axis=-1) + bias[0]
    return jax.nn.sigmoid(logits)

if __name__ == "__main__":
    import jax
    _d = setup_inputs()
    print(jax.jit(kernel)(*tuple(_d.values())))

</pallas_src>

<mosaic_0001>
#map = affine_map<(d0, d1) -> (0)>
module attributes {stable_mosaic.version = 14 : i64} {
  func.func @_sc_gather(%arg0: i32, %arg1: i32, %arg2: memref<1048576xf32, #tpu.memory_space<hbm>>, %arg3: memref<200000xi32, #tpu.memory_space<hbm>>, %arg4: memref<200000xf32, #tpu.memory_space<hbm>>, %arg5: memref<6272xi32, #tpu.memory_space<vmem>>, %arg6: memref<6272xf32, #tpu.memory_space<vmem>>, %arg7: memref<1048576xf32, #tpu.memory_space<vmem_shared>>, %arg8: memref<!tpu.dma_semaphore, #tpu.memory_space<semaphore_mem>>, %arg9: memref<!tpu.dma_semaphore, #tpu.memory_space<semaphore_mem>>) attributes {dimension_semantics = [#tpu.dimension_semantics<core_parallel>, #tpu.dimension_semantics<subcore_parallel>], iteration_bounds = array<i64: 2, 16>, scalar_prefetch = 0 : i64, scratch_operands = 5 : i64, tpu.core_type = #tpu.core_type<sc_vector_subcore>, window_params = [{transform_indices = #map}, {transform_indices = #map}, {transform_indices = #map}]} {
    %mul3A = arith.constant 2 : i32
    %mul3A_0 = arith.muli %arg1, %mul3A : i32
    %add3A = arith.addi %mul3A_0, %arg0 : i32
    %mul3A_1 = arith.constant 6272 : i32
    %mul3A_2 = arith.muli %add3A, %mul3A_1 : i32
    %min3A = arith.constant 193728 : i32
    %min3A_3 = arith.minsi %mul3A_2, %min3A : i32
    %mul3A_4 = arith.constant 65536 : i32
    %mul3A_5 = arith.muli %arg1, %mul3A_4 : i32
    %mul3A_6 = arith.constant 65536 : i32
    %mul3A_7 = arith.muli %arg1, %mul3A_6 : i32
    %dma_start3A = tpu.memref_slice %arg7[%mul3A_7] : memref<1048576xf32, #tpu.memory_space<vmem_shared>> -> memref<65536xf32, #tpu.memory_space<vmem_shared>>
    %dma_start3A_8 = tpu.memref_slice %arg2[%mul3A_5] : memref<1048576xf32, #tpu.memory_space<hbm>> -> memref<65536xf32, #tpu.memory_space<hbm>>
    tpu.enqueue_dma source(%dma_start3A_8 : memref<65536xf32, #tpu.memory_space<hbm>>) target(%dma_start3A : memref<65536xf32, #tpu.memory_space<vmem_shared>>) target_semaphore(%arg9 : memref<!tpu.dma_semaphore, #tpu.memory_space<semaphore_mem>>)
    "tpu.region"() ({
      %run_scoped3A = tpu.sem_alloc : memref<!tpu.dma_semaphore, #tpu.memory_space<semaphore_mem>>
      %dma_start3A_36 = tpu.memref_slice %arg3[%min3A_3] : memref<200000xi32, #tpu.memory_space<hbm>> -> memref<6272xi32, #tpu.memory_space<hbm>>
      %dma_start3A_37 = tpu.memref_slice %arg3[%min3A_3] : memref<200000xi32, #tpu.memory_space<hbm>> -> memref<6272xi32, #tpu.memory_space<hbm>>
      tpu.enqueue_dma source(%dma_start3A_37 : memref<6272xi32, #tpu.memory_space<hbm>>) target(%arg5 : memref<6272xi32, #tpu.memory_space<vmem>>) target_semaphore(%run_scoped3A : memref<!tpu.dma_semaphore, #tpu.memory_space<semaphore_mem>>)
      %dma_wait3A_38 = tpu.memref_slice %arg3[%min3A_3] : memref<200000xi32, #tpu.memory_space<hbm>> -> memref<6272xi32, #tpu.memory_space<hbm>>
      %dma_wait3A_39 = tpu.memref_slice %arg3[%min3A_3] : memref<200000xi32, #tpu.memory_space<hbm>> -> memref<6272xi32, #tpu.memory_space<hbm>>
      tpu.wait_dma2 semaphore(%run_scoped3A : memref<!tpu.dma_semaphore, #tpu.memory_space<semaphore_mem>>) src(%dma_wait3A_39 : memref<6272xi32, #tpu.memory_space<hbm>>) dst(%arg5 : memref<6272xi32, #tpu.memory_space<vmem>>)
      tpu.yield
    }) : () -> ()
    %dma_wait3A = tpu.memref_slice %arg7[%mul3A_7] : memref<1048576xf32, #tpu.memory_space<vmem_shared>> -> memref<65536xf32, #tpu.memory_space<vmem_shared>>
    %dma_wait3A_9 = tpu.memref_slice %arg2[%mul3A_5] : memref<1048576xf32, #tpu.memory_space<hbm>> -> memref<65536xf32, #tpu.memory_space<hbm>>
    tpu.wait_dma2 semaphore(%arg9 : memref<!tpu.dma_semaphore, #tpu.memory_space<semaphore_mem>>) src(%dma_wait3A_9 : memref<65536xf32, #tpu.memory_space<hbm>>) dst(%dma_wait3A : memref<65536xf32, #tpu.memory_space<vmem_shared>>)
    %barrier3A = arith.constant 0 : index
    tpu.barrier barrier_id(%barrier3A)
    %dma_start3A_10 = arith.constant 0 : i32
    %dma_start3A_11 = tpu.memref_slice %arg6[%dma_start3A_10] : memref<6272xf32, #tpu.memory_space<vmem>> -> memref<3136xf32, #tpu.memory_space<vmem>>
    %dma_start3A_12 = arith.constant 0 : i32
    %dma_start3A_13 = tpu.memref_slice %arg5[%dma_start3A_12] : memref<6272xi32, #tpu.memory_space<vmem>> -> memref<3136xi32, #tpu.memory_space<vmem>>
    %dma_start3A_14 = arith.constant 0 : i32
    %dma_start3A_15 = tpu.memref_slice %arg7[%dma_start3A_14] : memref<1048576xf32, #tpu.memory_space<vmem_shared>> -> memref<1048576xf32, #tpu.memory_space<vmem_shared>>
    tpu.enqueue_indirect_dma source(%dma_start3A_15 : memref<1048576xf32, #tpu.memory_space<vmem_shared>>) target(%dma_start3A_11 : memref<3136xf32, #tpu.memory_space<vmem>>) offsets(%dma_start3A_13 : memref<3136xi32, #tpu.memory_space<vmem>>) semaphore(%arg8 : memref<!tpu.dma_semaphore, #tpu.memory_space<semaphore_mem>>)
    %dma_start3A_16 = arith.constant 3136 : i32
    %dma_start3A_17 = tpu.memref_slice %arg6[%dma_start3A_16] : memref<6272xf32, #tpu.memory_space<vmem>> -> memref<3136xf32, #tpu.memory_space<vmem>>
    %dma_start3A_18 = arith.constant 3136 : i32
    %dma_start3A_19 = tpu.memref_slice %arg5[%dma_start3A_18] : memref<6272xi32, #tpu.memory_space<vmem>> -> memref<3136xi32, #tpu.memory_space<vmem>>
    %dma_start3A_20 = arith.constant 0 : i32
    %dma_start3A_21 = tpu.memref_slice %arg7[%dma_start3A_20] : memref<1048576xf32, #tpu.memory_space<vmem_shared>> -> memref<1048576xf32, #tpu.memory_space<vmem_shared>>
    tpu.enqueue_indirect_dma source(%dma_start3A_21 : memref<1048576xf32, #tpu.memory_space<vmem_shared>>) target(%dma_start3A_17 : memref<3136xf32, #tpu.memory_space<vmem>>) offsets(%dma_start3A_19 : memref<3136xi32, #tpu.memory_space<vmem>>) semaphore(%arg8 : memref<!tpu.dma_semaphore, #tpu.memory_space<semaphore_mem>>)
    %dma_wait3A_22 = arith.constant 0 : i32
    %dma_wait3A_23 = tpu.memref_slice %arg6[%dma_wait3A_22] : memref<6272xf32, #tpu.memory_space<vmem>> -> memref<3136xf32, #tpu.memory_space<vmem>>
    %dma_wait3A_24 = arith.constant 0 : i32
    %dma_wait3A_25 = tpu.memref_slice %arg5[%dma_wait3A_24] : memref<6272xi32, #tpu.memory_space<vmem>> -> memref<3136xi32, #tpu.memory_space<vmem>>
    %dma_wait3A_26 = arith.constant 0 : i32
    %dma_wait3A_27 = tpu.memref_slice %arg7[%dma_wait3A_26] : memref<1048576xf32, #tpu.memory_space<vmem_shared>> -> memref<1048576xf32, #tpu.memory_space<vmem_shared>>
    tpu.wait_indirect_dma semaphore(%arg8 : memref<!tpu.dma_semaphore, #tpu.memory_space<semaphore_mem>>) src(%dma_wait3A_27 : memref<1048576xf32, #tpu.memory_space<vmem_shared>>) dst(%dma_wait3A_23 : memref<3136xf32, #tpu.memory_space<vmem>>)
    "tpu.region"() ({
      %run_scoped3A = tpu.sem_alloc : memref<!tpu.dma_semaphore, #tpu.memory_space<semaphore_mem>>
      %dma_start3A_36 = arith.constant 0 : i32
      %dma_start3A_37 = tpu.memref_slice %arg6[%dma_start3A_36] : memref<6272xf32, #tpu.memory_space<vmem>> -> memref<3136xf32, #tpu.memory_space<vmem>>
      %dma_start3A_38 = tpu.memref_slice %arg4[%min3A_3] : memref<200000xf32, #tpu.memory_space<hbm>> -> memref<3136xf32, #tpu.memory_space<hbm>>
      %dma_start3A_39 = tpu.memref_slice %arg4[%min3A_3] : memref<200000xf32, #tpu.memory_space<hbm>> -> memref<3136xf32, #tpu.memory_space<hbm>>
      %dma_start3A_40 = arith.constant 0 : i32
      %dma_start3A_41 = tpu.memref_slice %arg6[%dma_start3A_40] : memref<6272xf32, #tpu.memory_space<vmem>> -> memref<3136xf32, #tpu.memory_space<vmem>>
      tpu.enqueue_dma source(%dma_start3A_41 : memref<3136xf32, #tpu.memory_space<vmem>>) target(%dma_start3A_39 : memref<3136xf32, #tpu.memory_space<hbm>>) target_semaphore(%run_scoped3A : memref<!tpu.dma_semaphore, #tpu.memory_space<semaphore_mem>>)
      %dma_wait3A_42 = arith.constant 0 : i32
      %dma_wait3A_43 = tpu.memref_slice %arg6[%dma_wait3A_42] : memref<6272xf32, #tpu.memory_space<vmem>> -> memref<3136xf32, #tpu.memory_space<vmem>>
      %dma_wait3A_44 = tpu.memref_slice %arg4[%min3A_3] : memref<200000xf32, #tpu.memory_space<hbm>> -> memref<3136xf32, #tpu.memory_space<hbm>>
      %dma_wait3A_45 = tpu.memref_slice %arg4[%min3A_3] : memref<200000xf32, #tpu.memory_space<hbm>> -> memref<3136xf32, #tpu.memory_space<hbm>>
      %dma_wait3A_46 = arith.constant 0 : i32
      %dma_wait3A_47 = tpu.memref_slice %arg6[%dma_wait3A_46] : memref<6272xf32, #tpu.memory_space<vmem>> -> memref<3136xf32, #tpu.memory_space<vmem>>
      tpu.wait_dma2 semaphore(%run_scoped3A : memref<!tpu.dma_semaphore, #tpu.memory_space<semaphore_mem>>) src(%dma_wait3A_47 : memref<3136xf32, #tpu.memory_space<vmem>>) dst(%dma_wait3A_45 : memref<3136xf32, #tpu.memory_space<hbm>>)
      tpu.yield
    }) : () -> ()
    %dma_wait3A_28 = arith.constant 3136 : i32
    %dma_wait3A_29 = tpu.memref_slice %arg6[%dma_wait3A_28] : memref<6272xf32, #tpu.memory_space<vmem>> -> memref<3136xf32, #tpu.memory_space<vmem>>
    %dma_wait3A_30 = arith.constant 3136 : i32
    %dma_wait3A_31 = tpu.memref_slice %arg5[%dma_wait3A_30] : memref<6272xi32, #tpu.memory_space<vmem>> -> memref<3136xi32, #tpu.memory_space<vmem>>
    %dma_wait3A_32 = arith.constant 0 : i32
    %dma_wait3A_33 = tpu.memref_slice %arg7[%dma_wait3A_32] : memref<1048576xf32, #tpu.memory_space<vmem_shared>> -> memref<1048576xf32, #tpu.memory_space<vmem_shared>>
    tpu.wait_indirect_dma semaphore(%arg8 : memref<!tpu.dma_semaphore, #tpu.memory_space<semaphore_mem>>) src(%dma_wait3A_33 : memref<1048576xf32, #tpu.memory_space<vmem_shared>>) dst(%dma_wait3A_29 : memref<3136xf32, #tpu.memory_space<vmem>>)
    %add3A_34 = arith.constant 3136 : i32
    %add3A_35 = arith.addi %min3A_3, %add3A_34 : i32
    "tpu.region"() ({
      %run_scoped3A = tpu.sem_alloc : memref<!tpu.dma_semaphore, #tpu.memory_space<semaphore_mem>>
      %dma_start3A_36 = arith.constant 3136 : i32
      %dma_start3A_37 = tpu.memref_slice %arg6[%dma_start3A_36] : memref<6272xf32, #tpu.memory_space<vmem>> -> memref<3136xf32, #tpu.memory_space<vmem>>
      %dma_start3A_38 = tpu.memref_slice %arg4[%add3A_35] : memref<200000xf32, #tpu.memory_space<hbm>> -> memref<3136xf32, #tpu.memory_space<hbm>>
      %dma_start3A_39 = tpu.memref_slice %arg4[%add3A_35] : memref<200000xf32, #tpu.memory_space<hbm>> -> memref<3136xf32, #tpu.memory_space<hbm>>
      %dma_start3A_40 = arith.constant 3136 : i32
      %dma_start3A_41 = tpu.memref_slice %arg6[%dma_start3A_40] : memref<6272xf32, #tpu.memory_space<vmem>> -> memref<3136xf32, #tpu.memory_space<vmem>>
      tpu.enqueue_dma source(%dma_start3A_41 : memref<3136xf32, #tpu.memory_space<vmem>>) target(%dma_start3A_39 : memref<3136xf32, #tpu.memory_space<hbm>>) target_semaphore(%run_scoped3A : memref<!tpu.dma_semaphore, #tpu.memory_space<semaphore_mem>>)
      %dma_wait3A_42 = arith.constant 3136 : i32
      %dma_wait3A_43 = tpu.memref_slice %arg6[%dma_wait3A_42] : memref<6272xf32, #tpu.memory_space<vmem>> -> memref<3136xf32, #tpu.memory_space<vmem>>
      %dma_wait3A_44 = tpu.memref_slice %arg4[%add3A_35] : memref<200000xf32, #tpu.memory_space<hbm>> -> memref<3136xf32, #tpu.memory_space<hbm>>
      %dma_wait3A_45 = tpu.memref_slice %arg4[%add3A_35] : memref<200000xf32, #tpu.memory_space<hbm>> -> memref<3136xf32, #tpu.memory_space<hbm>>
      %dma_wait3A_46 = arith.constant 3136 : i32
      %dma_wait3A_47 = tpu.memref_slice %arg6[%dma_wait3A_46] : memref<6272xf32, #tpu.memory_space<vmem>> -> memref<3136xf32, #tpu.memory_space<vmem>>
      tpu.wait_dma2 semaphore(%run_scoped3A : memref<!tpu.dma_semaphore, #tpu.memory_space<semaphore_mem>>) src(%dma_wait3A_47 : memref<3136xf32, #tpu.memory_space<vmem>>) dst(%dma_wait3A_45 : memref<3136xf32, #tpu.memory_space<hbm>>)
      tpu.yield
    }) : () -> ()
    return
  }
}

module attributes {stable_mosaic.version = 14 : i64} {
  func.func @_tc_body(%arg0: memref<64x1024xf32, #tpu.memory_space<vmem>>, %arg1: memref<2x200000xi32, #tpu.memory_space<any>>, %arg2: memref<64x64xf32, #tpu.memory_space<vmem>>, %arg3: memref<1x64xf32, #tpu.memory_space<vmem>>, %arg4: memref<64x64xf32, #tpu.memory_space<vmem>>, %arg5: memref<1x64xf32, #tpu.memory_space<vmem>>, %arg6: memref<1x1xf32, #tpu.memory_space<vmem>>, %arg7: memref<8192x128xf32, #tpu.memory_space<vmem>>, %arg8: memref<200000xi32, #tpu.memory_space<vmem>>, %arg9: memref<200000xi32, #tpu.memory_space<vmem>>, %arg10: memref<200000xi32, #tpu.memory_space<vmem>>, %arg11: memref<2x!tpu.dma_semaphore, #tpu.memory_space<semaphore_mem>>) attributes {dimension_semantics = [], scalar_prefetch = 0 : i64, scratch_operands = 3 : i64, tpu.core_type = #tpu.core_type<tc>} {
    %dma_start3A = arith.constant 0 : i32
    %dma_start3A_0 = arith.constant 0 : i32
    %dma_start3A_1 = tpu.memref_slice %arg11[%dma_start3A_0] : memref<2x!tpu.dma_semaphore, #tpu.memory_space<semaphore_mem>> -> memref<1x!tpu.dma_semaphore, #tpu.memory_space<semaphore_mem>>
    %dma_start3A_2 = tpu.memref_squeeze %dma_start3A_1 : memref<1x!tpu.dma_semaphore, #tpu.memory_space<semaphore_mem>> -> memref<!tpu.dma_semaphore, #tpu.memory_space<semaphore_mem>>
    %dma_start3A_3 = arith.constant 0 : i32
    %dma_start3A_4 = tpu.memref_slice %arg1[%dma_start3A, %dma_start3A_3] : memref<2x200000xi32, #tpu.memory_space<any>> -> memref<1x200000xi32, #tpu.memory_space<any>>
    %dma_start3A_5 = tpu.memref_squeeze %dma_start3A_4 : memref<1x200000xi32, #tpu.memory_space<any>> -> memref<200000xi32, #tpu.memory_space<any>>
    tpu.enqueue_dma source(%dma_start3A_5 : memref<200000xi32, #tpu.memory_space<any>>) target(%arg9 : memref<200000xi32, #tpu.memory_space<vmem>>) target_semaphore(%dma_start3A_2 : memref<!tpu.dma_semaphore, #tpu.memory_space<semaphore_mem>>)
    %dma_start3A_6 = arith.constant 1 : i32
    %dma_start3A_7 = arith.constant 1 : i32
    %dma_start3A_8 = tpu.memref_slice %arg11[%dma_start3A_7] : memref<2x!tpu.dma_semaphore, #tpu.memory_space<semaphore_mem>> -> memref<1x!tpu.dma_semaphore, #tpu.memory_space<semaphore_mem>>
    %dma_start3A_9 = tpu.memref_squeeze %dma_start3A_8 : memref<1x!tpu.dma_semaphore, #tpu.memory_space<semaphore_mem>> -> memref<!tpu.dma_semaphore, #tpu.memory_space<semaphore_mem>>
    %dma_start3A_10 = arith.constant 0 : i32
    %dma_start3A_11 = tpu.memref_slice %arg1[%dma_start3A_6, %dma_start3A_10] : memref<2x200000xi32, #tpu.memory_space<any>> -> memref<1x200000xi32, #tpu.memory_space<any>>
    %dma_start3A_12 = tpu.memref_squeeze %dma_start3A_11 : memref<1x200000xi32, #tpu.memory_space<any>> -> memref<200000xi32, #tpu.memory_space<any>>
    tpu.enqueue_dma source(%dma_start3A_12 : memref<200000xi32, #tpu.memory_space<any>>) target(%arg10 : memref<200000xi32, #tpu.memory_space<vmem>>) target_semaphore(%dma_start3A_9 : memref<!tpu.dma_semaphore, #tpu.memory_space<semaphore_mem>>)
    %get3A = arith.constant 0 : index
    %get3A_13 = arith.constant 0 : index
    %get3A_14 = vector.load %arg0[%get3A, %get3A_13] : memref<64x1024xf32, #tpu.memory_space<vmem>>, vector<64x1024xf32>
    %reduce_sum3A = arith.constant dense<0.000000e+00> : vector<64xf32>
    %reduce_sum3A_15 = vector.multi_reduction <add>, %get3A_14, %reduce_sum3A [1] : vector<64x1024xf32> to vector<64xf32>
    %broadcast_in_dim3A = vector.shape_cast %reduce_sum3A_15 : vector<64xf32> to vector<64x1xf32>
    %div3A = arith.constant 1.024000e+03 : f32
    %div3A_16 = vector.broadcast %div3A : f32 to vector<64x1xf32>
    %div3A_17 = arith.divf %broadcast_in_dim3A, %div3A_16 : vector<64x1xf32>
    %transpose3A = tpu.transpose %div3A_17, [1, 0] : vector<64x1xf32> -> vector<1x64xf32>
    %get3A_18 = arith.constant 0 : index
    %get3A_19 = arith.constant 0 : index
    %get3A_20 = vector.load %arg2[%get3A_18, %get3A_19] : memref<64x64xf32, #tpu.memory_space<vmem>>, vector<64x64xf32>
    %dot_general3A = arith.constant dense<0.000000e+00> : vector<1x64xf32>
    %dot_general3A_21 = tpu.matmul %transpose3A, %get3A_20, %dot_general3A {dimension_numbers = #tpu.dot_dimension_numbers<[1], [0], [0], [1], [0, 0, 1, 1], [], []>, transpose_lhs_hint = false} : vector<1x64xf32>, vector<64x64xf32>, vector<1x64xf32> -> vector<1x64xf32>
    %get3A_22 = arith.constant 0 : index
    %get3A_23 = arith.constant 0 : index
    %get3A_24 = vector.load %arg3[%get3A_22, %get3A_23] : memref<1x64xf32, #tpu.memory_space<vmem>>, vector<1x64xf32>
    %add3A = arith.addf %dot_general3A_21, %get3A_24 : vector<1x64xf32>
    %max3A = arith.constant 0.000000e+00 : f32
    %max3A_25 = vector.broadcast %max3A : f32 to vector<1x64xf32>
    %max3A_26 = arith.maximumf %add3A, %max3A_25 : vector<1x64xf32>
    %add3A_27 = arith.addf %transpose3A, %max3A_26 : vector<1x64xf32>
    %get3A_28 = arith.constant 0 : index
    %get3A_29 = arith.constant 0 : index
    %get3A_30 = vector.load %arg4[%get3A_28, %get3A_29] : memref<64x64xf32, #tpu.memory_space<vmem>>, vector<64x64xf32>
    %dot_general3A_31 = arith.constant dense<0.000000e+00> : vector<1x64xf32>
    %dot_general3A_32 = tpu.matmul %add3A_27, %get3A_30, %dot_general3A_31 {dimension_numbers = #tpu.dot_dimension_numbers<[1], [0], [0], [1], [0, 0, 1, 1], [], []>, transpose_lhs_hint = false} : vector<1x64xf32>, vector<64x64xf32>, vector<1x64xf32> -> vector<1x64xf32>
    %get3A_33 = arith.constant 0 : index
    %get3A_34 = arith.constant 0 : index
    %get3A_35 = vector.load %arg5[%get3A_33, %get3A_34] : memref<1x64xf32, #tpu.memory_space<vmem>>, vector<1x64xf32>
    %add3A_36 = arith.addf %dot_general3A_32, %get3A_35 : vector<1x64xf32>
    %add3A_37 = arith.addf %max3A_26, %add3A_36 : vector<1x64xf32>
    %transpose3A_38 = tpu.transpose %add3A_37, [1, 0] : vector<1x64xf32> -> vector<64x1xf32>
    %add3A_39 = vector.broadcast %transpose3A_38 : vector<64x1xf32> to vector<64x1024xf32>
    %add3A_40 = arith.addf %get3A_14, %add3A_39 : vector<64x1024xf32>
    %slice3A = vector.extract_strided_slice %add3A_40 {offsets = [0, 0], sizes = [64, 128], strides = [1, 1]} : vector<64x1024xf32> to vector<64x128xf32>
    %dot_general3A_41 = arith.constant dense<0.000000e+00> : vector<1024x128xf32>
    %dot_general3A_42 = tpu.matmul %add3A_40, %slice3A, %dot_general3A_41 {dimension_numbers = #tpu.dot_dimension_numbers<[0], [0], [1], [1], [0, 1, 1, 1], [], []>, transpose_lhs_hint = false} : vector<64x1024xf32>, vector<64x128xf32>, vector<1024x128xf32> -> vector<1024x128xf32>
    %get3A_43 = arith.constant 0 : index
    %get3A_44 = arith.constant 0 : index
    %get3A_45 = vector.load %arg6[%get3A_43, %get3A_44] : memref<1x1xf32, #tpu.memory_space<vmem>>, vector<1x1xf32>
    %get3A_46 = vector.extract %get3A_45[0, 0] : f32 from vector<1x1xf32>
    %add3A_47 = vector.broadcast %get3A_46 : f32 to vector<1024x128xf32>
    %add3A_48 = arith.addf %dot_general3A_42, %add3A_47 : vector<1024x128xf32>
    %logistic3A = arith.negf %add3A_48 : vector<1024x128xf32>
    %logistic3A_49 = math.exp %logistic3A : vector<1024x128xf32>
    %logistic3A_50 = arith.constant 1.000000e+00 : f32
    %logistic3A_51 = vector.broadcast %logistic3A_50 : f32 to vector<1024x128xf32>
    %logistic3A_52 = arith.addf %logistic3A_51, %logistic3A_49 : vector<1024x128xf32>
    %logistic3A_53 = arith.divf %logistic3A_51, %logistic3A_52 : vector<1024x128xf32>
    %swap3A = arith.constant 0 : index
    %swap3A_54 = arith.constant 0 : index
    %swap3A_55 = vector.load %arg7[%swap3A, %swap3A_54] : memref<8192x128xf32, #tpu.memory_space<vmem>>, vector<1024x128xf32>
    tpu.vector_store %arg7[%swap3A, %swap3A_54], %logistic3A_53 {strides = array<i32>} : memref<8192x128xf32, #tpu.memory_space<vmem>>, vector<1024x128xf32>,
    %slice3A_56 = vector.extract_strided_slice %add3A_40 {offsets = [0, 128], sizes = [64, 128], strides = [1, 1]} : vector<64x1024xf32> to vector<64x128xf32>
    %dot_general3A_57 = arith.constant dense<0.000000e+00> : vector<1024x128xf32>
    %dot_general3A_58 = tpu.matmul %add3A_40, %slice3A_56, %dot_general3A_57 {dimension_numbers = #tpu.dot_dimension_numbers<[0], [0], [1], [1], [0, 1, 1, 1], [], []>, transpose_lhs_hint = false} : vector<64x1024xf32>, vector<64x128xf32>, vector<1024x128xf32> -> vector<1024x128xf32>
    %get3A_59 = arith.constant 0 : index
    %get3A_60 = arith.constant 0 : index
    %get3A_61 = vector.load %arg6[%get3A_59, %get3A_60] : memref<1x1xf32, #tpu.memory_space<vmem>>, vector<1x1xf32>
    %get3A_62 = vector.extract %get3A_61[0, 0] : f32 from vector<1x1xf32>
    %add3A_63 = vector.broadcast %get3A_62 : f32 to vector<1024x128xf32>
    %add3A_64 = arith.addf %dot_general3A_58, %add3A_63 : vector<1024x128xf32>
    %logistic3A_65 = arith.negf %add3A_64 : vector<1024x128xf32>
    %logistic3A_66 = math.exp %logistic3A_65 : vector<1024x128xf32>
    %logistic3A_67 = arith.constant 1.000000e+00 : f32
    %logistic3A_68 = vector.broadcast %logistic3A_67 : f32 to vector<1024x128xf32>
    %logistic3A_69 = arith.addf %logistic3A_68, %logistic3A_66 : vector<1024x128xf32>
    %logistic3A_70 = arith.divf %logistic3A_68, %logistic3A_69 : vector<1024x128xf32>
    %swap3A_71 = arith.constant 1024 : index
    %swap3A_72 = arith.constant 0 : index
    %swap3A_73 = vector.load %arg7[%swap3A_71, %swap3A_72] : memref<8192x128xf32, #tpu.memory_space<vmem>>, vector<1024x128xf32>
    tpu.vector_store %arg7[%swap3A_71, %swap3A_72], %logistic3A_70 {strides = array<i32>} : memref<8192x128xf32, #tpu.memory_space<vmem>>, vector<1024x128xf32>,
    %slice3A_74 = vector.extract_strided_slice %add3A_40 {offsets = [0, 256], sizes = [64, 128], strides = [1, 1]} : vector<64x1024xf32> to vector<64x128xf32>
    %dot_general3A_75 = arith.constant dense<0.000000e+00> : vector<1024x128xf32>
    %dot_general3A_76 = tpu.matmul %add3A_40, %slice3A_74, %dot_general3A_75 {dimension_numbers = #tpu.dot_dimension_numbers<[0], [0], [1], [1], [0, 1, 1, 1], [], []>, transpose_lhs_hint = false} : vector<64x1024xf32>, vector<64x128xf32>, vector<1024x128xf32> -> vector<1024x128xf32>
    %get3A_77 = arith.constant 0 : index
    %get3A_78 = arith.constant 0 : index
    %get3A_79 = vector.load %arg6[%get3A_77, %get3A_78] : memref<1x1xf32, #tpu.memory_space<vmem>>, vector<1x1xf32>
    %get3A_80 = vector.extract %get3A_79[0, 0] : f32 from vector<1x1xf32>
    %add3A_81 = vector.broadcast %get3A_80 : f32 to vector<1024x128xf32>
    %add3A_82 = arith.addf %dot_general3A_76, %add3A_81 : vector<1024x128xf32>
    %logistic3A_83 = arith.negf %add3A_82 : vector<1024x128xf32>
    %logistic3A_84 = math.exp %logistic3A_83 : vector<1024x128xf32>
    %logistic3A_85 = arith.constant 1.000000e+00 : f32
    %logistic3A_86 = vector.broadcast %logistic3A_85 : f32 to vector<1024x128xf32>
    %logistic3A_87 = arith.addf %logistic3A_86, %logistic3A_84 : vector<1024x128xf32>
    %logistic3A_88 = arith.divf %logistic3A_86, %logistic3A_87 : vector<1024x128xf32>
    %swap3A_89 = arith.constant 2048 : index
    %swap3A_90 = arith.constant 0 : index
    %swap3A_91 = vector.load %arg7[%swap3A_89, %swap3A_90] : memref<8192x128xf32, #tpu.memory_space<vmem>>, vector<1024x128xf32>
    tpu.vector_store %arg7[%swap3A_89, %swap3A_90], %logistic3A_88 {strides = array<i32>} : memref<8192x128xf32, #tpu.memory_space<vmem>>, vector<1024x128xf32>,
    %slice3A_92 = vector.extract_strided_slice %add3A_40 {offsets = [0, 384], sizes = [64, 128], strides = [1, 1]} : vector<64x1024xf32> to vector<64x128xf32>
    %dot_general3A_93 = arith.constant dense<0.000000e+00> : vector<1024x128xf32>
    %dot_general3A_94 = tpu.matmul %add3A_40, %slice3A_92, %dot_general3A_93 {dimension_numbers = #tpu.dot_dimension_numbers<[0], [0], [1], [1], [0, 1, 1, 1], [], []>, transpose_lhs_hint = false} : vector<64x1024xf32>, vector<64x128xf32>, vector<1024x128xf32> -> vector<1024x128xf32>
    %get3A_95 = arith.constant 0 : index
    %get3A_96 = arith.constant 0 : index
    %get3A_97 = vector.load %arg6[%get3A_95, %get3A_96] : memref<1x1xf32, #tpu.memory_space<vmem>>, vector<1x1xf32>
    %get3A_98 = vector.extract %get3A_97[0, 0] : f32 from vector<1x1xf32>
    %add3A_99 = vector.broadcast %get3A_98 : f32 to vector<1024x128xf32>
    %add3A_100 = arith.addf %dot_general3A_94, %add3A_99 : vector<1024x128xf32>
    %logistic3A_101 = arith.negf %add3A_100 : vector<1024x128xf32>
    %logistic3A_102 = math.exp %logistic3A_101 : vector<1024x128xf32>
    %logistic3A_103 = arith.constant 1.000000e+00 : f32
    %logistic3A_104 = vector.broadcast %logistic3A_103 : f32 to vector<1024x128xf32>
    %logistic3A_105 = arith.addf %logistic3A_104, %logistic3A_102 : vector<1024x128xf32>
    %logistic3A_106 = arith.divf %logistic3A_104, %logistic3A_105 : vector<1024x128xf32>
    %swap3A_107 = arith.constant 3072 : index
    %swap3A_108 = arith.constant 0 : index
    %swap3A_109 = vector.load %arg7[%swap3A_107, %swap3A_108] : memref<8192x128xf32, #tpu.memory_space<vmem>>, vector<1024x128xf32>
    tpu.vector_store %arg7[%swap3A_107, %swap3A_108], %logistic3A_106 {strides = array<i32>} : memref<8192x128xf32, #tpu.memory_space<vmem>>, vector<1024x128xf32>,
    %slice3A_110 = vector.extract_strided_slice %add3A_40 {offsets = [0, 512], sizes = [64, 128], strides = [1, 1]} : vector<64x1024xf32> to vector<64x128xf32>
    %dot_general3A_111 = arith.constant dense<0.000000e+00> : vector<1024x128xf32>
    %dot_general3A_112 = tpu.matmul %add3A_40, %slice3A_110, %dot_general3A_111 {dimension_numbers = #tpu.dot_dimension_numbers<[0], [0], [1], [1], [0, 1, 1, 1], [], []>, transpose_lhs_hint = false} : vector<64x1024xf32>, vector<64x128xf32>, vector<1024x128xf32> -> vector<1024x128xf32>
    %get3A_113 = arith.constant 0 : index
    %get3A_114 = arith.constant 0 : index
    %get3A_115 = vector.load %arg6[%get3A_113, %get3A_114] : memref<1x1xf32, #tpu.memory_space<vmem>>, vector<1x1xf32>
    %get3A_116 = vector.extract %get3A_115[0, 0] : f32 from vector<1x1xf32>
    %add3A_117 = vector.broadcast %get3A_116 : f32 to vector<1024x128xf32>
    %add3A_118 = arith.addf %dot_general3A_112, %add3A_117 : vector<1024x128xf32>
    %logistic3A_119 = arith.negf %add3A_118 : vector<1024x128xf32>
    %logistic3A_120 = math.exp %logistic3A_119 : vector<1024x128xf32>
    %logistic3A_121 = arith.constant 1.000000e+00 : f32
    %logistic3A_122 = vector.broadcast %logistic3A_121 : f32 to vector<1024x128xf32>
    %logistic3A_123 = arith.addf %logistic3A_122, %logistic3A_120 : vector<1024x128xf32>
    %logistic3A_124 = arith.divf %logistic3A_122, %logistic3A_123 : vector<1024x128xf32>
    %swap3A_125 = arith.constant 4096 : index
    %swap3A_126 = arith.constant 0 : index
    %swap3A_127 = vector.load %arg7[%swap3A_125, %swap3A_126] : memref<8192x128xf32, #tpu.memory_space<vmem>>, vector<1024x128xf32>
    tpu.vector_store %arg7[%swap3A_125, %swap3A_126], %logistic3A_124 {strides = array<i32>} : memref<8192x128xf32, #tpu.memory_space<vmem>>, vector<1024x128xf32>,
    %slice3A_128 = vector.extract_strided_slice %add3A_40 {offsets = [0, 640], sizes = [64, 128], strides = [1, 1]} : vector<64x1024xf32> to vector<64x128xf32>
    %dot_general3A_129 = arith.constant dense<0.000000e+00> : vector<1024x128xf32>
    %dot_general3A_130 = tpu.matmul %add3A_40, %slice3A_128, %dot_general3A_129 {dimension_numbers = #tpu.dot_dimension_numbers<[0], [0], [1], [1], [0, 1, 1, 1], [], []>, transpose_lhs_hint = false} : vector<64x1024xf32>, vector<64x128xf32>, vector<1024x128xf32> -> vector<1024x128xf32>
    %get3A_131 = arith.constant 0 : index
    %get3A_132 = arith.constant 0 : index
    %get3A_133 = vector.load %arg6[%get3A_131, %get3A_132] : memref<1x1xf32, #tpu.memory_space<vmem>>, vector<1x1xf32>
    %get3A_134 = vector.extract %get3A_133[0, 0] : f32 from vector<1x1xf32>
    %add3A_135 = vector.broadcast %get3A_134 : f32 to vector<1024x128xf32>
    %add3A_136 = arith.addf %dot_general3A_130, %add3A_135 : vector<1024x128xf32>
    %logistic3A_137 = arith.negf %add3A_136 : vector<1024x128xf32>
    %logistic3A_138 = math.exp %logistic3A_137 : vector<1024x128xf32>
    %logistic3A_139 = arith.constant 1.000000e+00 : f32
    %logistic3A_140 = vector.broadcast %logistic3A_139 : f32 to vector<1024x128xf32>
    %logistic3A_141 = arith.addf %logistic3A_140, %logistic3A_138 : vector<1024x128xf32>
    %logistic3A_142 = arith.divf %logistic3A_140, %logistic3A_141 : vector<1024x128xf32>
    %swap3A_143 = arith.constant 5120 : index
    %swap3A_144 = arith.constant 0 : index
    %swap3A_145 = vector.load %arg7[%swap3A_143, %swap3A_144] : memref<8192x128xf32, #tpu.memory_space<vmem>>, vector<1024x128xf32>
    tpu.vector_store %arg7[%swap3A_143, %swap3A_144], %logistic3A_142 {strides = array<i32>} : memref<8192x128xf32, #tpu.memory_space<vmem>>, vector<1024x128xf32>,
    %slice3A_146 = vector.extract_strided_slice %add3A_40 {offsets = [0, 768], sizes = [64, 128], strides = [1, 1]} : vector<64x1024xf32> to vector<64x128xf32>
    %dot_general3A_147 = arith.constant dense<0.000000e+00> : vector<1024x128xf32>
    %dot_general3A_148 = tpu.matmul %add3A_40, %slice3A_146, %dot_general3A_147 {dimension_numbers = #tpu.dot_dimension_numbers<[0], [0], [1], [1], [0, 1, 1, 1], [], []>, transpose_lhs_hint = false} : vector<64x1024xf32>, vector<64x128xf32>, vector<1024x128xf32> -> vector<1024x128xf32>
    %get3A_149 = arith.constant 0 : index
    %get3A_150 = arith.constant 0 : index
    %get3A_151 = vector.load %arg6[%get3A_149, %get3A_150] : memref<1x1xf32, #tpu.memory_space<vmem>>, vector<1x1xf32>
    %get3A_152 = vector.extract %get3A_151[0, 0] : f32 from vector<1x1xf32>
    %add3A_153 = vector.broadcast %get3A_152 : f32 to vector<1024x128xf32>
    %add3A_154 = arith.addf %dot_general3A_148, %add3A_153 : vector<1024x128xf32>
    %logistic3A_155 = arith.negf %add3A_154 : vector<1024x128xf32>
    %logistic3A_156 = math.exp %logistic3A_155 : vector<1024x128xf32>
    %logistic3A_157 = arith.constant 1.000000e+00 : f32
    %logistic3A_158 = vector.broadcast %logistic3A_157 : f32 to vector<1024x128xf32>
    %logistic3A_159 = arith.addf %logistic3A_158, %logistic3A_156 : vector<1024x128xf32>
    %logistic3A_160 = arith.divf %logistic3A_158, %logistic3A_159 : vector<1024x128xf32>
    %swap3A_161 = arith.constant 6144 : index
    %swap3A_162 = arith.constant 0 : index
    %swap3A_163 = vector.load %arg7[%swap3A_161, %swap3A_162] : memref<8192x128xf32, #tpu.memory_space<vmem>>, vector<1024x128xf32>
    tpu.vector_store %arg7[%swap3A_161, %swap3A_162], %logistic3A_160 {strides = array<i32>} : memref<8192x128xf32, #tpu.memory_space<vmem>>, vector<1024x128xf32>,
    %slice3A_164 = vector.extract_strided_slice %add3A_40 {offsets = [0, 896], sizes = [64, 128], strides = [1, 1]} : vector<64x1024xf32> to vector<64x128xf32>
    %dot_general3A_165 = arith.constant dense<0.000000e+00> : vector<1024x128xf32>
    %dot_general3A_166 = tpu.matmul %add3A_40, %slice3A_164, %dot_general3A_165 {dimension_numbers = #tpu.dot_dimension_numbers<[0], [0], [1], [1], [0, 1, 1, 1], [], []>, transpose_lhs_hint = false} : vector<64x1024xf32>, vector<64x128xf32>, vector<1024x128xf32> -> vector<1024x128xf32>
    %get3A_167 = arith.constant 0 : index
    %get3A_168 = arith.constant 0 : index
    %get3A_169 = vector.load %arg6[%get3A_167, %get3A_168] : memref<1x1xf32, #tpu.memory_space<vmem>>, vector<1x1xf32>
    %get3A_170 = vector.extract %get3A_169[0, 0] : f32 from vector<1x1xf32>
    %add3A_171 = vector.broadcast %get3A_170 : f32 to vector<1024x128xf32>
    %add3A_172 = arith.addf %dot_general3A_166, %add3A_171 : vector<1024x128xf32>
    %logistic3A_173 = arith.negf %add3A_172 : vector<1024x128xf32>
    %logistic3A_174 = math.exp %logistic3A_173 : vector<1024x128xf32>
    %logistic3A_175 = arith.constant 1.000000e+00 : f32
    %logistic3A_176 = vector.broadcast %logistic3A_175 : f32 to vector<1024x128xf32>
    %logistic3A_177 = arith.addf %logistic3A_176, %logistic3A_174 : vector<1024x128xf32>
    %logistic3A_178 = arith.divf %logistic3A_176, %logistic3A_177 : vector<1024x128xf32>
    %swap3A_179 = arith.constant 7168 : index
    %swap3A_180 = arith.constant 0 : index
    %swap3A_181 = vector.load %arg7[%swap3A_179, %swap3A_180] : memref<8192x128xf32, #tpu.memory_space<vmem>>, vector<1024x128xf32>
    tpu.vector_store %arg7[%swap3A_179, %swap3A_180], %logistic3A_178 {strides = array<i32>} : memref<8192x128xf32, #tpu.memory_space<vmem>>, vector<1024x128xf32>,
    %dma_wait3A = arith.constant 0 : i32
    %dma_wait3A_182 = arith.constant 0 : i32
    %dma_wait3A_183 = tpu.memref_slice %arg11[%dma_wait3A_182] : memref<2x!tpu.dma_semaphore, #tpu.memory_space<semaphore_mem>> -> memref<1x!tpu.dma_semaphore, #tpu.memory_space<semaphore_mem>>
    %dma_wait3A_184 = tpu.memref_squeeze %dma_wait3A_183 : memref<1x!tpu.dma_semaphore, #tpu.memory_space<semaphore_mem>> -> memref<!tpu.dma_semaphore, #tpu.memory_space<semaphore_mem>>
    %dma_wait3A_185 = arith.constant 0 : i32
    %dma_wait3A_186 = tpu.memref_slice %arg1[%dma_wait3A, %dma_wait3A_185] : memref<2x200000xi32, #tpu.memory_space<any>> -> memref<1x200000xi32, #tpu.memory_space<any>>
    %dma_wait3A_187 = tpu.memref_squeeze %dma_wait3A_186 : memref<1x200000xi32, #tpu.memory_space<any>> -> memref<200000xi32, #tpu.memory_space<any>>
    tpu.wait_dma2 semaphore(%dma_wait3A_184 : memref<!tpu.dma_semaphore, #tpu.memory_space<semaphore_mem>>) src(%dma_wait3A_187 : memref<200000xi32, #tpu.memory_space<any>>) dst(%arg9 : memref<200000xi32, #tpu.memory_space<vmem>>)
    %dma_wait3A_188 = arith.constant 1 : i32
    %dma_wait3A_189 = arith.constant 1 : i32
    %dma_wait3A_190 = tpu.memref_slice %arg11[%dma_wait3A_189] : memref<2x!tpu.dma_semaphore, #tpu.memory_space<semaphore_mem>> -> memref<1x!tpu.dma_semaphore, #tpu.memory_space<semaphore_mem>>
    %dma_wait3A_191 = tpu.memref_squeeze %dma_wait3A_190 : memref<1x!tpu.dma_semaphore, #tpu.memory_space<semaphore_mem>> -> memref<!tpu.dma_semaphore, #tpu.memory_space<semaphore_mem>>
    %dma_wait3A_192 = arith.constant 0 : i32
    %dma_wait3A_193 = tpu.memref_slice %arg1[%dma_wait3A_188, %dma_wait3A_192] : memref<2x200000xi32, #tpu.memory_space<any>> -> memref<1x200000xi32, #tpu.memory_space<any>>
    %dma_wait3A_194 = tpu.memref_squeeze %dma_wait3A_193 : memref<1x200000xi32, #tpu.memory_space<any>> -> memref<200000xi32, #tpu.memory_space<any>>
    tpu.wait_dma2 semaphore(%dma_wait3A_191 : memref<!tpu.dma_semaphore, #tpu.memory_space<semaphore_mem>>) src(%dma_wait3A_194 : memref<200000xi32, #tpu.memory_space<any>>) dst(%arg10 : memref<200000xi32, #tpu.memory_space<vmem>>)
    %get3A_195 = arith.constant 0 : index
    %get3A_196 = vector.load %arg9[%get3A_195] : memref<200000xi32, #tpu.memory_space<vmem>>, vector<200000xi32>
    %get3A_197 = arith.constant 0 : index
    %get3A_198 = vector.load %arg10[%get3A_197] : memref<200000xi32, #tpu.memory_space<vmem>>, vector<200000xi32>
    %shift_right_arithmetic3A = arith.constant 7 : i32
    %shift_right_arithmetic3A_199 = vector.broadcast %shift_right_arithmetic3A : i32 to vector<200000xi32>
    %shift_right_arithmetic3A_200 = arith.shrsi %get3A_198, %shift_right_arithmetic3A_199 : vector<200000xi32>
    %shift_left3A = arith.constant 17 : i32
    %shift_left3A_201 = vector.broadcast %shift_left3A : i32 to vector<200000xi32>
    %shift_left3A_202 = arith.shli %shift_right_arithmetic3A_200, %shift_left3A_201 : vector<200000xi32>
    %shift_left3A_203 = arith.constant 7 : i32
    %shift_left3A_204 = vector.broadcast %shift_left3A_203 : i32 to vector<200000xi32>
    %shift_left3A_205 = arith.shli %get3A_196, %shift_left3A_204 : vector<200000xi32>
    %add3A_206 = arith.addi %shift_left3A_202, %shift_left3A_205 : vector<200000xi32>
    %and3A = arith.constant 127 : i32
    %and3A_207 = vector.broadcast %and3A : i32 to vector<200000xi32>
    %and3A_208 = arith.andi %get3A_198, %and3A_207 : vector<200000xi32>
    %add3A_209 = arith.addi %add3A_206, %and3A_208 : vector<200000xi32>
    %swap3A_210 = arith.constant 0 : index
    %swap3A_211 = vector.load %arg8[%swap3A_210] : memref<200000xi32, #tpu.memory_space<vmem>>, vector<200000xi32>
    tpu.vector_store %arg8[%swap3A_210], %add3A_209 {strides = array<i32>} : memref<200000xi32, #tpu.memory_space<vmem>>, vector<200000xi32>,
    return
  }
}

</mosaic_0001>

<sc_bundles>
// kernel: kernel.4.cloned.1.call-start
scs
__scs_entry_jumppad:
0x0: {  	(pc) =	sbr.rel $0x88, $3  }
0x1: {  	(tag) =	ssettag $0x0;
	lr =	simm.s32 $0x1  }
0x2: {  	[smem:$0x3F9A] =	sst lr;
	_ =	strace $0xD0000000  }
0x3: {  	_ = 	snop  }
0x4: {  	_ = 	snop  }
0x5: {  	_ = 	snop  }
0x6: {  	_ = 	snop  }
0x7: {  	_ = 	snop  }
__scs_overlays_trampoline_lowered:
0x8: {  	[smem:$0x3FA9] =	sst s0  }
0x9: {  	[smem:$0x3FAA] =	sst s1  }
0xa: {  	[smem:$0x3FAB] =	sst s2  }
0xb: {  	[smem:$0x3FAC] =	sst s3  }
0xc: {  	[smem:$0x3FAD] =	sst s4  }
0xd: {  	[smem:$0x3FAE] =	sst s5  }
0xe: {  	[smem:$0x3FAF] =	sst s6  }
0xf: {  	[smem:$0x3FB0] =	sst s7  }
0x10: {  	[smem:$0x3FB1] =	sst s8  }
0x11: {  	[smem:$0x3FB2] =	sst s9;
	s0 =	simm.s32 @!p0 $0x0  }
0x12: {  	s1 =	sld [smem:$0x3F98];
	s0 =	simm.s32 @p0 $0x1  }
0x13: {  	[smem:$0x3FB3] =	sst s0;
	s0 =	simm.s32 @!p1 $0x0  }
0x14: {  	s2 =	sld [smem:$0x3F97];
	s0 =	simm.s32 @p1 $0x1  }
0x15: {  	[smem:$0x3FB4] =	sst s0;
	s0 =	simm.s32 @!p2 $0x0  }
0x16: {  	s3 =	sld [smem:$0x3FDB];
	s0 =	simm.s32 @p2 $0x1  }
0x17: {  	s4 =	simm.s32 $0x1BF5;
	[smem:$0x3FB6] =	sst s0  }
0x18: {  	s0 =	sld [smem:$0x3F99];
	_ =	swait.ge [sflag:s4], $0x0  }
0x19: {  	s7 =	sld [smem:$0x3F9A]  }
0x1a: {  	s8 =	sadd.s32 $0xFFFFE003, lr  }
0x1b: {  	s9 =	sadd.s32 $0xFFFFFEF7, lr;
	s5 =	simm.s32 $0xFFFFFFFF;
	p2 =	slt.u32 s8, $0xFFFFF086  }
0x1c: {  	p1 =	slt.u32 s9, $0xF7A;
	s5 =	simm.s32 @!p2 $0x0  }
0x1d: {  	s5 =	simm.s32 @p1 $0x1;
	p0 =	seq.s32 s7, s2  }
0x1e: {  	s7 =	smul.u32 @!p0 $0xF7A, s2;
	p2 =	seq.s32 @!p0 s5, $0x0  }
0x1f: {  	s9 =	smul.u32 $0xF7A, s1;
	s8 =	simm.s32 @!p0 $0x1BF5;
	p2 =	por !p2, p0  }
0x20: {  	[sflag:s8] =	ssyncset.s32 @!p0 $0xFFFFF086;
	s6 =	sadd.s32 @!p0 s3, s7;
	s7 =	simm.s32 @!p0 $0x108  }
0x21: {  	s3 =	sadd.s32 s3, s9;
	s6 =	sadd.s32 @!p0 $0x88, s6;
	s7 =	simm.s32 @p2 $0x1082  }
0x22: {  	[simem:s7], [sflag:s8] =	dma.local @!p0 [hbm:s6], $0xF7A  }
0x23: {  	s9 =	sor.u32 $0xD0000000, s2;
	s6 =	simm.s32 $0x108;
	_ =	swait.ge @!p0 [sflag:s8], $0x0  }
0x24: {  	s3 =	sadd.s32 $0x88, s3;
	s6 =	simm.s32 @!p1 $0x1082;
	[sflag:s4] =	ssyncset.s32 $0xFFFFF086  }
0x25: {  	[simem:s6], [sflag:s4] =	dma.local [hbm:s3], $0xF7A  }
0x26: {  	[smem:$0x3F9A] =	sst s1;
	(tag) =	ssettag s2;
	_ =	strace s9  }
0x27: {  	s1 =	sld [smem:$0x3FAA]  }
0x28: {  	s2 =	sld [smem:$0x3FAB]  }
0x29: {  	s4 =	sld [smem:$0x3FAD]  }
0x2a: {  	p0 =	seq.s32 s5, $0x0;
	s5 =	sld [smem:$0x3FAE]  }
0x2b: {  	s6 =	sld [smem:$0x3FAF]  }
0x2c: {  	s7 =	sld [smem:$0x3FB0]  }
0x2d: {  	s3 =	simm.s32 $0x108;
	s8 =	sld [smem:$0x3FB1]  }
0x2e: {  	s3 =	simm.s32 @!p0 $0x1082;
	s9 =	sld [smem:$0x3FB2]  }
0x2f: {  	lr =	sadd.s32 s0, s3;
	s0 =	sld [smem:$0x3FA9]  }
0x30: {  	s3 =	sld [smem:$0x3FAC]  }
0x31: {  	[smem:$0x3FB5] =	sst s10  }
0x32: {  	s10 =	sld [smem:$0x3FB3];
	_ =	sdelay $0x3  }
0x33: {  	p0 =	seq.s32 s10, $0x1;
	s10 =	sld [smem:$0x3FB5];
	_ =	sdelay $0x3  }
0x34: {  	[smem:$0x3FB5] =	sst s10  }
0x35: {  	s10 =	sld [smem:$0x3FB4];
	_ =	sdelay $0x3  }
0x36: {  	p1 =	seq.s32 s10, $0x1;
	s10 =	sld [smem:$0x3FB5];
	_ =	sdelay $0x3  }
0x37: {  	[smem:$0x3FB5] =	sst s10  }
0x38: {  	s10 =	sld [smem:$0x3FB6]  }
0x39: {  	_ = 	snop;
	(pc) =	sbr.ind lr, $3  }
0x3a: {  	_ = 	snop  }
0x3b: {  	_ = 	snop  }
0x3c: {  	p2 =	seq.s32 s10, $0x1;
	s10 =	sld [smem:$0x3FB5]  }
0x3d: {  	_ =	shalt  }
0x3e: {  	_ =	shalt  }
0x3f: {  	_ =	shalt  }
0x40: {  	_ =	shalt  }
0x41: {  	_ =	shalt  }
0x42: {  	_ =	shalt  }
0x43: {  	_ =	shalt  }
0x44: {  	_ =	shalt  }
0x45: {  	_ =	shalt  }
0x46: {  	_ =	shalt  }
0x47: {  	_ =	shalt  }
0x48: {  	_ =	shalt  }
0x49: {  	_ =	shalt  }
0x4a: {  	_ =	shalt  }
0x4b: {  	_ =	shalt  }
0x4c: {  	_ =	shalt  }
0x4d: {  	_ =	shalt  }
0x4e: {  	_ =	shalt  }
0x4f: {  	_ =	shalt  }
0x50: {  	_ =	shalt  }
0x51: {  	_ =	shalt  }
0x52: {  	_ =	shalt  }
0x53: {  	_ =	shalt  }
0x54: {  	_ =	shalt  }
0x55: {  	_ =	shalt  }
0x56: {  	_ =	shalt  }
0x57: {  	_ =	shalt  }
0x58: {  	_ =	shalt  }
0x59: {  	_ =	shalt  }
0x5a: {  	_ =	shalt  }
0x5b: {  	_ =	shalt  }
0x5c: {  	_ =	shalt  }
0x5d: {  	_ =	shalt  }
0x5e: {  	_ =	shalt  }
0x5f: {  	_ =	shalt  }
0x60: {  	_ =	shalt  }
0x61: {  	_ =	shalt  }
0x62: {  	_ =	shalt  }
0x63: {  	_ =	shalt  }
0x64: {  	_ =	shalt  }
0x65: {  	_ =	shalt  }
0x66: {  	_ =	shalt  }
0x67: {  	_ =	shalt  }
0x68: {  	_ =	shalt  }
0x69: {  	_ =	shalt  }
0x6a: {  	_ =	shalt  }
0x6b: {  	_ =	shalt  }
0x6c: {  	_ =	shalt  }
0x6d: {  	_ =	shalt  }
0x6e: {  	_ =	shalt  }
0x6f: {  	_ =	shalt  }
0x70: {  	_ =	shalt  }
0x71: {  	_ =	shalt  }
0x72: {  	_ =	shalt  }
0x73: {  	_ =	shalt  }
0x74: {  	_ =	shalt  }
0x75: {  	_ =	shalt  }
0x76: {  	_ =	shalt  }
0x77: {  	_ =	shalt  }
0x78: {  	_ =	shalt  }
0x79: {  	_ =	shalt  }
0x7a: {  	_ =	shalt  }
0x7b: {  	_ =	shalt  }
0x7c: {  	_ =	shalt  }
0x7d: {  	_ =	shalt  }
0x7e: {  	_ =	shalt  }
0x7f: {  	_ =	shalt  }
0x80: {  	_ =	shalt  }
0x81: {  	_ =	shalt  }
0x82: {  	_ =	shalt  }
0x83: {  	_ =	shalt  }
0x84: {  	_ =	shalt  }
0x85: {  	_ =	shalt  }
0x86: {  	_ =	shalt  }
0x87: {  	_ =	shalt  }
.Lfunc_end0:
.L_simem_size_0:
called_computation_lowered:
.L_overlay_start_0:
0x88: {  	s2 =	sld [smem:$0x3FD9]  }
0x89: {  	s3 =	sld [smem:$0x3FFE];
	_ =	sdelay $0x1  }
0x8a: {  	s1 =	srdreg.scid  }
0x8b: {  	s0 =	sand.u32 $0x1, s1  }
0x8c: {  	s17 =	sshll.u32 s0, $0xA;
	s2 =	sadd.s32 s3, s2  }
0x8d: {  	s2 =	sadd.s32 s2, s17  }
0x8e: {  	[smem:$0x3FC1] =	sst s2  }
0x8f: {  	_ = 	snop  }
0x90: {  	s2 =	sld [smem:$0x3FD0];
	(tm) =	ssettm $0x1  }
0x91: {  	s18 =	sld [smem:$0x3FFB];
	_ =	sdelay $0x3  }
0x92: {  	_ =	strace s18  }
0x93: {  	s3 =	sld [smem:$0x3FFC];
	_ =	sdelay $0x3  }
0x94: {  	_ =	strace s3  }
0x95: {  	s3 =	sld [smem:$0x3FFD];
	_ =	sdelay $0x3  }
0x96: {  	_ =	strace s3  }
0x97: {  	_ =	strace $0x8FFFFFFF  }
0x98: {  	s19 =	sld [smem:$0x3FDB];
	_ =	sdelay $0x1  }
0x99: {  	s4 =	simm.s32 $_scs_section_size  }
0x9a: {  	s5 =	simm.s32 $_size__tile_overlayer_lowered;
	s6 =	simm.s32 $_tile_overlayer_lowered  }
0x9b: {  	s22 =	simm.s32 $0x1BFF;
	s21 =	sshll.u32 s6, $0x1;
	s3 =	sadd.s32 s4, s19  }
0x9c: {  	s7 =	simm.s32 $0x0;
	s20 =	sshll.u32 s5, $0x1;
	s5 =	sadd.s32 s21, s3  }
0x9d: {  	[timem:s7], [sflag:s22] =	dma.local [hbm:s5], s20  }
0x9e: {  	_ =	swait.ge [sflag:s22], s20  }
0x9f: {  	s4 =	ssub.s32 $0x0, s20;
	[sflag:s22] =	ssyncset.done $0x0  }
0xa0: {  	[sflag:s22] =	ssyncadd.s32 s4;
	_ =	sdelay $0x1  }
0xa1: {  	s23 =	simm.s32 $0x1B8B  }
0xa2: {  	_ =	swait.ge [sflag:s23], $0x1  }
0xa3: {  	[sflag:s23] =	ssyncset.done $0x0  }
0xa4: {  	s25 =	simm.s32 $0x1B8E;
	s24 =	sld [smem:$0x3FFE];
	[sflag:s23] =	ssyncadd.s32 $0xFFFFFFFF  }
0xa5: {  	s26 =	simm.s32 $execute0_lowered;
	[smem:$0x3FD2] =	sst s25  }
0xa6: {  	s5 =	sshll.u32 s26, $0x1;
	_ =	strace $0x80000046;
	[dreg:$0x1] =	wrdreg $0xFFFFFFFF  }
0xa7: {  	s28 =	simm.s32 $_size_execute0_lowered;
	s3 =	sadd.s32 s3, s5;
	[dreg:$0x0] =	wrdreg $0x0  }
0xa8: {  	s5 =	sshll.u32 s28, $0x1;
	[dreg:$0x2] =	wrdreg s3  }
0xa9: {  	[dreg:$0x3] =	wrdreg s5  }
0xaa: {  	[dreg:$0x4] =	wrdreg $0xC0  }
0xab: {  	_ =	task [dreg:s7], $0x5FFFF  }
0xac: {  	[dreg:$0x1] =	wrdreg $0xFFFFFFFF  }
0xad: {  	[dreg:$0x0] =	wrdreg $0x60  }
0xae: {  	[dreg:$0x2] =	wrdreg s24  }
0xaf: {  	[dreg:$0x3] =	wrdreg s2  }
0xb0: {  	[dreg:$0x4] =	wrdreg $0x31000  }
0xb1: {  	[dreg:$0x5] =	wrdreg $0x9  }
0xb2: {  	_ =	task.clear_ibuf [dreg:s7], $0x6FFFF;
	_ =	strace $0x90000046  }
0xb3: {  	s29 =	simm.s32 $0x9;
	_ =	strace $0x80000048  }
0xb4: {  	_ =	swait.ge [sflag:s29], $0x1  }
0xb5: {  	[sflag:s29] =	ssyncadd.s32 $0xFFFFFFFF  }
0xb6: {  	_ =	strace $0x90000048  }
0xb7: {  	_ =	sfence  }
0xb8: {  	s30 =	sld [smem:$0x0];
	_ =	sdelay $0x2  }
0xb9: {  	s31 =	sshll.u32 s1, $0xD;
	s1 =	sshrl.u32 s1, $0x2  }
0xba: {  	s3 =	sand.u32 $0x4000, s31;
	s1 =	sadd.s32 s1, s30  }
0xbb: {  	s0 =	sor.u32 s3, s0;
	s1 =	sshll.u32 s1, $0x11  }
0xbc: {  	s0 =	sor.u32 s1, s0  }
0xbd: {  	s0 =	sadd.s32 $0x8F2B, s0  }
0xbe: {  	[sflag:s0] =	ssyncadd.remote.s32 $0x1  }
0xbf: {  	_ =	sfence.sel $0xFFFF  }
0xc0: {  	[dreg:$0x0] =	wrdreg $0xFFFFFFFF;
	(pc) =	sbr.abs _section_cstart, $3  }
0xc1: {  	[dreg:$0x1] =	wrdreg $0xFFFFFFFF  }
0xc2: {  	_ =	task.clear_ibuf [dreg:s7], $0x2FFFF;
	_ =	strace $0x9FFFFFFF  }
0xc3: {  	(tm) =	ssettm $0x7FFFFFFF  }
tec
execute0_lowered:
.L_overlay_start_1:
0x0: {  	(tag) =	ssettag $0x1  }
0x1: {  	s0 =	stileid.u32  }
0x2: {  	s1 =	srdreg.scid;
	s4 =	rddreg [dreg:$0x0]  }
0x3: {  	s14 =	rddreg [dreg:$0x1];
	s15 =	sand.u32 $0x1, s1;
	s28 =	sshll.u32 s0, $0x1  }
0x4: {  	s2 =	rddreg [dreg:$0x2];
	s3 =	simm.s32 $0x0;
	s1 =	sor.u32 s15, s28  }
0x5: {  	[smem:$0x7FF] =	sst s3;
	s5 =	smul.u32 $0x1880, s1  }
0x6: {  	s6 =	sshll.u32 s0, $0xD;
	s29 =	sshll.u32 s0, $0x10;
	s30 =	sshll.u32 s0, $0x6  }
0x7: {  	s6 =	sadd.s32 s6, s4;
	s8 =	sadd.s32 s29, s2;
	s5 =	smin.u32 s5, $0x2F4C0  }
0x8: {  	s1 =	rddreg [dreg:$0x3];
	_ =	strace $0x80000047;
	s16 =	sshrl.u32 s5, $0x3  }
0x9: {  	s8 =	sshrl.u32 s8, $0x3;
	s5 =	sor.u32 $0x1C02, s30;
	s7 =	sadd.s32 s16, s4  }
0xa: {  	s4 =	sadd.s32 $0x1600, s6;
	s6 =	sadd.s32 $0x21600, s7;
	s7 =	simm.s32 $0x3  }
0xb: {  	[spmem:s8], [sflag:s5] =	dma.local [hbm:s4], $0x2000  }
0xc: {  	[tilespmem:s3], [sflag:$0x3] =	stream.linear.gather [hbm4b:s6+s3], $0x1880, $0x38;
	[tilespmem:$0x13100] =	vst v63  }
0xd: {  	_ =	swait.ge [sflag:s7], $0x1880  }
0xe: {  	[sflag:s7] =	ssyncset.done $0x0  }
0xf: {  	s9 =	simm.s32 $0x2;
	[sflag:s7] =	ssyncadd.s32 $0xFFFFE780  }
0x10: {  	_ =	swait.ge [sflag:s9], $0x2000  }
0x11: {  	[sflag:s9] =	ssyncset.done $0x0  }
0x12: {  	[sflag:s9] =	ssyncadd.s32 $0xFFFFE000  }
0x13: {  	s10 =	simm.s32 $0xC40;
	s11 =	simm.s32 $0x1880;
	[bflag:$0x0] =	sbarrier.arrive $0xFFFF  }
0x14: {  	[tilespmem:s11], [sflag:$0x1] =	stream.indirect.gather [spmem:s2], $0x1, s3, s10, $0xb8;
	[tilespmem:$0x13100] =	vst v63  }
0x15: {  	s12 =	simm.s32 $0x24C0;
	s13 =	simm.s32 $0x1  }
0x16: {  	[tilespmem:s12], [sflag:$0x1] =	stream.indirect.gather [spmem:s2], $0x1, s10, s10, $0xb8;
	[tilespmem:$0x13100] =	vst v63  }
0x17: {  	_ =	swait.ge [sflag:s13], $0xC40  }
0x18: {  	[sflag:s13] =	ssyncset.done $0x0  }
0x19: {  	s15 =	ssub.s32 $0x2, s15;
	s14 =	sadd.s32 s14, s16;
	[sflag:s13] =	ssyncadd.s32 $0xFFFFF3C0  }
0x1a: {  	[hbm4b:s14+s3] =	stream.linear.scatter [tilespmem:s11], [sflag:$0x3], $0xC40, $0x38;
	[tilespmem:$0x13100] =	vst v63  }
0x1b: {  	s31 =	sshrl.u32 s15, $0x1;
	_ =	swait.ge [sflag:s7], $0xC40  }
0x1c: {  	s16 =	ssub.s32 s15, s31;
	[sflag:s7] =	ssyncset.done $0x0  }
0x1d: {  	s16 =	smax.u32 s16, $0x1;
	[sflag:s7] =	ssyncadd.s32 $0xFFFFF3C0  }
0x1e: {  	p0 =	sne.s32 s16, $0x1;
	_ =	swait.ge [sflag:s13], $0xC40  }
.Ltmp0:
0x1f: {  	[sflag:s13] =	ssyncset.done $0x0;
	(pc) =	sbr.rel @!p0 .LBB2_2-.Ltmp0, $4  }
0x20: {  	s15 =	sadd.s32 $0x188, s14;
	[sflag:s13] =	ssyncadd.s32 $0xFFFFF3C0  }
0x21: {  	[hbm4b:s15+s3] =	stream.linear.scatter [tilespmem:s12], [sflag:$0x3], $0xC40, $0x38;
	[tilespmem:$0x13100] =	vst v63  }
0x22: {  	_ =	swait.ge [sflag:s7], $0xC40  }
0x23: {  	s16 =	sadd.s32 $0xFFFFFFFF, s16;
	[sflag:s7] =	ssyncset.done $0x0  }
.LBB2_1:
0x24: {  	p0 =	sne.s32 s16, $0x1;
	s16 =	sadd.s32 $0xFFFFFFFF, s16;
	[sflag:s7] =	ssyncadd.s32 $0xFFFFF3C0  }
0x25: {  	[spmem:s8], [sflag:s5] =	dma.local [hbm:s4], $0x2000  }
0x26: {  	[tilespmem:s3], [sflag:$0x3] =	stream.linear.gather [hbm4b:s6+s3], $0x1880, $0x38;
	[tilespmem:$0x13100] =	vst v63  }
0x27: {  	_ =	swait.ge [sflag:s7], $0x1880  }
0x28: {  	[sflag:s7] =	ssyncset.done $0x0  }
0x29: {  	[sflag:s7] =	ssyncadd.s32 $0xFFFFE780  }
0x2a: {  	_ =	swait.ge [sflag:s9], $0x2000  }
0x2b: {  	[sflag:s9] =	ssyncset.done $0x0  }
0x2c: {  	[sflag:s9] =	ssyncadd.s32 $0xFFFFE000  }
0x2d: {  	[bflag:$0x0] =	sbarrier.arrive $0xFFFF  }
0x2e: {  	[tilespmem:s11], [sflag:$0x1] =	stream.indirect.gather [spmem:s2], $0x1, s3, s10, $0xb8;
	[tilespmem:$0x13100] =	vst v63  }
0x2f: {  	_ = 	snop  }
0x30: {  	[tilespmem:s12], [sflag:$0x1] =	stream.indirect.gather [spmem:s2], $0x1, s10, s10, $0xb8;
	[tilespmem:$0x13100] =	vst v63  }
0x31: {  	_ =	swait.ge [sflag:s13], $0xC40  }
0x32: {  	[sflag:s13] =	ssyncset.done $0x0  }
0x33: {  	[sflag:s13] =	ssyncadd.s32 $0xFFFFF3C0  }
0x34: {  	[hbm4b:s14+s3] =	stream.linear.scatter [tilespmem:s11], [sflag:$0x3], $0xC40, $0x38;
	[tilespmem:$0x13100] =	vst v63  }
0x35: {  	_ =	swait.ge [sflag:s7], $0xC40  }
0x36: {  	[sflag:s7] =	ssyncset.done $0x0  }
0x37: {  	[sflag:s7] =	ssyncadd.s32 $0xFFFFF3C0  }
0x38: {  	_ =	swait.ge [sflag:s13], $0xC40  }
.Ltmp1:
0x39: {  	[sflag:s13] =	ssyncset.done $0x0;
	(pc) =	sbr.rel @p0 .LBB2_1-.Ltmp1, $4  }
0x3a: {  	[sflag:s13] =	ssyncadd.s32 $0xFFFFF3C0  }
0x3b: {  	[hbm4b:s15+s3] =	stream.linear.scatter [tilespmem:s12], [sflag:$0x3], $0xC40, $0x38;
	[tilespmem:$0x13100] =	vst v63  }
0x3c: {  	_ =	swait.ge [sflag:s7], $0xC40  }
0x3d: {  	[sflag:s7] =	ssyncset.done $0x0  }
.LBB2_2:
0x3e: {  	[sflag:s7] =	ssyncadd.s32 $0xFFFFF3C0  }
0x3f: {  	_ =	sfence.sel $0x180000  }
0x40: {  	[bflag:$0x0] =	sbarrier.arrive $0xFFFF  }
0x41: {  	p0 =	sne.s32 s0, $0x0;
	_ =	strace $0x90000047  }
0x42: {  	s0 =	sadd.s32 @!p0 $0x100000, s1;
	[bflag:$0x2] =	sbarrier.arrive $0xFFFF  }
0x43: {  	[sflag:s0] =	ssyncadd.tile.s32 @!p0 $0x1;
	_ =	shalt  }
.Lfunc_end2:
_tile_overlayer_lowered:
.L_overlay_start_2:
0x44: {  	(tag) =	ssettag $0x2  }
0x45: {  	s0 =	rddreg [dreg:$0x0];
	s2 =	stileid.u32  }
0x46: {  	s1 =	rddreg [dreg:$0x1];
	p0 =	sne.s32 s2, $0x0  }
0x47: {  	s3 =	rddreg [dreg:$0x2];
	[bflag:$0x3] =	sbarrier.arrive $0xFFFF;
	s2 =	simm.s32 @!p0 $0x1C03  }
0x48: {  	[timem:s3], [sflag:s2] =	dma.local @!p0 [hbm:s0], s1  }
0x49: {  	s0 =	simm.s32 @!p0 $0x3  }
0x4a: {  	_ =	swait.ge @!p0 [sflag:s0], s1  }
0x4b: {  	s1 =	ssub.s32 @!p0 $0x0, s1;
	[sflag:s0] =	ssyncset.done @!p0 $0x0  }
0x4c: {  	[sflag:s0] =	ssyncadd.s32 @!p0 s1  }
0x4d: {  	[bflag:$0x3] =	sbarrier.arrive $0xFFFF  }
0x4e: {  	_ =	shalt  }

</sc_bundles>
